<compile_context>
chip_gen: v7x
topology: tpu7x:2x2x1
jax: 0.10.2.dev20260603
libtpu: 0.0.44.dev20260713+nightly
codegen_flags: <defaults>
</compile_context>

<pallas_src>
import functools

import jax
import jax.numpy as jnp
from jax import lax
from jax.experimental import pallas as pl
from jax.experimental.pallas import tpu as pltpu
from jax.experimental.pallas import tpu_sc as plsc

N = 10000
E = 320000
D = 128

NC = 2
NS = 16
NW = NC * NS
EPW = E // NW
K = 125
CH = EPW // K
BLK = 16
NBLK = CH // BLK
ZR = 25
RPT = N // NS

@functools.lru_cache(maxsize=None)
def _mesh():
    return plsc.VectorSubcoreMesh(
        core_axis_name="c", subcore_axis_name="s",
        num_cores=NC, num_subcores=NS)


def _sc_counts_body(dst0_hbm, dst1_hbm, dst2_hbm, out_hbm, idx_v, cnt_v):
    c = lax.axis_index("c")
    s = lax.axis_index("s")
    wid = s * NC + c
    for set_i, dst_hbm in enumerate((dst0_hbm, dst1_hbm, dst2_hbm)):
        pltpu.sync_copy(dst_hbm.at[wid], idx_v)

        def _zero(i, _):
            for u in range(5):
                cnt_v[pl.ds((i * 5 + u) * 16, 16)] = jnp.zeros(
                    (16,), jnp.float32)
            return 0
        lax.fori_loop(0, N // 80, _zero, 0)

        def _count(i, _):
            idx = idx_v[i]
            plsc.addupdate_scatter(cnt_v, [idx], jnp.ones((16,), jnp.float32))
            return 0
        lax.fori_loop(0, EPW // 16, _count, 0)
        pltpu.sync_copy(cnt_v, out_hbm.at[set_i, wid])


@jax.jit
def _sc_counts(dst0, dst1, dst2):
    kern = pl.kernel(
        _sc_counts_body,
        out_type=jax.ShapeDtypeStruct((3, NW, N), jnp.float32),
        mesh=_mesh(),
        scratch_types=[
            pltpu.VMEM((EPW // 16, 16), jnp.int32),
            pltpu.VMEM((N,), jnp.float32),
        ],
        compiler_params=pltpu.CompilerParams(needs_layout_passes=False),
    )
    return kern(dst0, dst1, dst2)


def _sc_segsum_body(x_hbm, src_hbm, dst_hbm, dummy_hbm, out_hbm,
                    idx_s0, idx_d0, idx_s1, idx_d1, rows0, rows1, zbuf, acc,
                    sem0, sem1, sem_i0, sem_i1):
    c = lax.axis_index("c")
    s = lax.axis_index("s")
    wid = s * NC + c
    row0 = s * RPT

    def _zrow(i, _):
        for j in range(D // 16):
            zbuf[i, pl.ds(j * 16, 16)] = jnp.zeros((16,), jnp.float32)
        return 0
    lax.fori_loop(0, ZR, _zrow, 0)

    def _zcopy(z, _):
        pltpu.sync_copy(zbuf, acc.at[pl.ds(row0 + z * ZR, ZR)])
        return 0
    lax.fori_loop(0, RPT // ZR, _zcopy, 0)
    plsc.subcore_barrier()

    def _start(idx, j, buf, sem):
        pltpu.async_copy(x_hbm.at[idx.at[j]], buf, sem)

    def _wait(buf, sem):
        pltpu.make_async_copy(dummy_hbm, buf, sem).wait()

    def _scat(idx, j, buf):
        pltpu.sync_copy(buf, acc.at[idx.at[j]], add=True)

    def _stage(b, is_, id_, sem):
        pltpu.async_copy(src_hbm.at[wid * NBLK + b], is_, sem)
        pltpu.async_copy(dst_hbm.at[wid * NBLK + b], id_, sem)

    def _stage_wait(is_, id_, sem):
        pltpu.make_async_copy(src_hbm.at[0], is_, sem).wait()
        pltpu.make_async_copy(src_hbm.at[0], id_, sem).wait()

    def _run_block(is_, id_):
        _start(is_, 0, rows0, sem0)
        _start(is_, 1, rows1, sem1)
        _wait(rows0, sem0)
        _scat(id_, 0, rows0)

        def _pair(jj, _):
            jod = 1 + 2 * jj
            _start(is_, jod + 1, rows0, sem0)
            _wait(rows1, sem1)
            _scat(id_, jod, rows1)
            if BLK % 2:
                @pl.when(jj < (BLK - 3) // 2)
                def _():
                    _start(is_, jod + 2, rows1, sem1)
            else:
                _start(is_, jod + 2, rows1, sem1)
            _wait(rows0, sem0)
            _scat(id_, jod + 1, rows0)
            return 0
        lax.fori_loop(0, (BLK - 1) // 2 if BLK % 2 else (BLK - 2) // 2,
                      _pair, 0)
        if BLK % 2 == 0:
            _wait(rows1, sem1)
            _scat(id_, BLK - 1, rows1)

    bufs = ((idx_s0, idx_d0, sem_i0), (idx_s1, idx_d1, sem_i1))
    _stage(0, idx_s0, idx_d0, sem_i0)
    _stage_wait(idx_s0, idx_d0, sem_i0)
    for b in range(NBLK):
        cur_s, cur_d, _cur_sem = bufs[b % 2]
        nxt_s, nxt_d, nxt_sem = bufs[(b + 1) % 2]
        if b + 1 < NBLK:
            _stage(b + 1, nxt_s, nxt_d, nxt_sem)
        _run_block(cur_s, cur_d)
        if b + 1 < NBLK:
            _stage_wait(nxt_s, nxt_d, nxt_sem)
    plsc.subcore_barrier()

    pltpu.sync_copy(acc.at[pl.ds(row0, RPT)], out_hbm.at[c, s])


@jax.jit
def _sc_segsum(x, src_r, dst_r):
    kern = pl.kernel(
        _sc_segsum_body,
        out_type=jax.ShapeDtypeStruct((NC, NS, RPT, D), jnp.float32),
        mesh=_mesh(),
        scratch_types=[
            pltpu.VMEM((BLK, K), jnp.int32),
            pltpu.VMEM((BLK, K), jnp.int32),
            pltpu.VMEM((BLK, K), jnp.int32),
            pltpu.VMEM((BLK, K), jnp.int32),
            pltpu.VMEM((K, D), jnp.float32),
            pltpu.VMEM((K, D), jnp.float32),
            pltpu.VMEM((ZR, D), jnp.float32),
            pltpu.VMEM_SHARED((N, D), jnp.float32),
            pltpu.SemaphoreType.DMA,
            pltpu.SemaphoreType.DMA,
            pltpu.SemaphoreType.DMA,
            pltpu.SemaphoreType.DMA,
        ],
    )
    dummy = jnp.zeros((K, D), jnp.float32)
    return kern(x, src_r, dst_r, dummy).reshape(NC, N, D)


BM = 2000
GRID = N // BM


def _tc_a_body(s_ref, c1_ref, cg_ref, x_ref, w_ref, b_ref, o_ref):
    ssum = s_ref[0] + s_ref[1]
    c1 = jnp.maximum(jnp.sum(c1_ref[...], axis=1), 1.0)
    m = ssum / c1[:, None]
    h = jnp.dot(m, w_ref[...], preferred_element_type=jnp.float32)
    e1 = jnp.maximum(h + b_ref[...], 0.0) + x_ref[...]
    cg = jnp.sum(cg_ref[...], axis=1) + 1.0
    dinv = lax.rsqrt(cg)
    o_ref[...] = e1 * dinv[:, None]


def _tc_b_body(s_ref, cg_ref, xs_ref, w_ref, b_ref, o_ref):
    ssum = s_ref[0] + s_ref[1]
    cg = jnp.sum(cg_ref[...], axis=1) + 1.0
    dinv = lax.rsqrt(cg)
    g = (ssum + xs_ref[...]) * dinv[:, None]
    o_ref[...] = jnp.dot(g, w_ref[...], preferred_element_type=jnp.float32) \
        + b_ref[...]


def _tc_c_body(s_ref, c3_ref, x_ref, w_ref, b_ref, o_ref):
    ssum = s_ref[0] + s_ref[1]
    c3 = jnp.maximum(jnp.sum(c3_ref[...], axis=1), 1.0)
    m = ssum / c3[:, None]
    h = jnp.dot(m, w_ref[...], preferred_element_type=jnp.float32)
    o_ref[...] = jnp.maximum(h + b_ref[...], 0.0) + x_ref[...]


def _row_spec(bm, d):
    return pl.BlockSpec((bm, d), lambda i: (i, 0))


_S_SPEC = pl.BlockSpec((NC, BM, D), lambda i: (0, i, 0))
_CNT_SPEC = pl.BlockSpec((BM, NW), lambda i: (i, 0))
_W_SPEC = pl.BlockSpec((D, D), lambda i: (0, 0))
_B_SPEC = pl.BlockSpec((1, D), lambda i: (0, 0))
_X_SPEC = _row_spec(BM, D)
_OUT = jax.ShapeDtypeStruct((N, D), jnp.float32)


@jax.jit
def _tc_stage_a(s_parts, c1_parts, cg_parts, x, w, b):
    return pl.pallas_call(
        _tc_a_body,
        grid=(GRID,),
        compiler_params=pltpu.CompilerParams(
            dimension_semantics=("parallel",)),
        in_specs=[_S_SPEC, _CNT_SPEC, _CNT_SPEC, _X_SPEC, _W_SPEC, _B_SPEC],
        out_specs=_X_SPEC,
        out_shape=_OUT,
    )(s_parts, c1_parts, cg_parts, x, w, b.reshape(1, D))


@jax.jit
def _tc_stage_b(s_parts, cg_parts, xs, w, b):
    return pl.pallas_call(
        _tc_b_body,
        grid=(GRID,),
        compiler_params=pltpu.CompilerParams(
            dimension_semantics=("parallel",)),
        in_specs=[_S_SPEC, _CNT_SPEC, _X_SPEC, _W_SPEC, _B_SPEC],
        out_specs=_X_SPEC,
        out_shape=_OUT,
    )(s_parts, cg_parts, xs, w, b.reshape(1, D))


@jax.jit
def _tc_stage_c(s_parts, c3_parts, x, w, b):
    return pl.pallas_call(
        _tc_c_body,
        grid=(GRID,),
        compiler_params=pltpu.CompilerParams(
            dimension_semantics=("parallel",)),
        in_specs=[_S_SPEC, _CNT_SPEC, _X_SPEC, _W_SPEC, _B_SPEC],
        out_specs=_X_SPEC,
        out_shape=_OUT,
    )(s_parts, c3_parts, x, w, b.reshape(1, D))


def kernel(embedding, down2up_path, same_level_edge_index, up2down_edge_index,
           W_d2u, b_d2u, W_gcn, b_gcn, W_u2d, b_u2d):
    e_d2u = down2up_path.astype(jnp.int32)
    e_gcn = same_level_edge_index.astype(jnp.int32)
    e_u2d = up2down_edge_index.astype(jnp.int32)

    def _split(e):
        return (e[0].reshape(NW * NBLK, BLK, K), e[1].reshape(NW * NBLK, BLK, K))

    src1, dst1 = _split(e_d2u)
    srcg, dstg = _split(e_gcn)
    src3, dst3 = _split(e_u2d)

    cnts = _sc_counts(
        e_d2u[1].reshape(NW, EPW // 16, 16),
        e_gcn[1].reshape(NW, EPW // 16, 16),
        e_u2d[1].reshape(NW, EPW // 16, 16),
    ).transpose(0, 2, 1)

    s1 = _sc_segsum(embedding, src1, dst1)
    xs = _tc_stage_a(s1, cnts[0], cnts[1], embedding, W_d2u, b_d2u)
    s2 = _sc_segsum(xs, srcg, dstg)
    e2 = _tc_stage_b(s2, cnts[1], xs, W_gcn, b_gcn)
    s3 = _sc_segsum(e2, src3, dst3)
    return _tc_stage_c(s3, cnts[2], e2, W_u2d, b_u2d)

# --- scband reference (transcript-rebuilt; emitter-appended) ---
"""Pipeline reference for scband-dehnn-layer-15590731285076 (READ-ONLY COPY).

The authoritative reference and input builder live on the scoring server;
editing this copy changes nothing except your own understanding.
"""

import jax, jax.numpy as jnp
import numpy as np

N = 10000
E = 320000
D_IN = 128
D_OUT = 128


def setup_inputs(seed: int = 0) -> dict:
    key = jax.random.key(seed)
    ks = jax.random.split(key, 12)
    embedding = jax.random.normal(ks[0], (N, D_IN), dtype=jnp.float32)
    down2up_path = jax.random.randint(ks[1], (2, E), 0, N)
    same_level_edge_index = jax.random.randint(ks[2], (2, E), 0, N)
    up2down_edge_index = jax.random.randint(ks[3], (2, E), 0, N)
    # Learned parameters
    W_d2u = jax.random.normal(ks[4], (D_IN, D_IN), dtype=jnp.float32) / np.sqrt(D_IN)
    b_d2u = jnp.zeros((D_IN,), dtype=jnp.float32)
    W_gcn = jax.random.normal(ks[5], (D_IN, D_OUT), dtype=jnp.float32) / np.sqrt(D_IN)
    b_gcn = jnp.zeros((D_OUT,), dtype=jnp.float32)
    W_u2d = jax.random.normal(ks[6], (D_OUT, D_OUT), dtype=jnp.float32) / np.sqrt(D_OUT)
    b_u2d = jnp.zeros((D_OUT,), dtype=jnp.float32)
    return {
        "embedding": embedding,
        "down2up_path": down2up_path,
        "same_level_edge_index": same_level_edge_index,
        "up2down_edge_index": up2down_edge_index,
        "W_d2u": W_d2u, "b_d2u": b_d2u,
        "W_gcn": W_gcn, "b_gcn": b_gcn,
        "W_u2d": W_u2d, "b_u2d": b_u2d,
    }


def _agg_mean(x, edge_index, n):
    # message = gather on src, scatter-mean on dst (hierarchy up/down pass)
    src, dst = edge_index[0], edge_index[1]
    s = jax.ops.segment_sum(x[src], dst, num_segments=n)
    c = jax.ops.segment_sum(jnp.ones((edge_index.shape[1],), x.dtype), dst, num_segments=n)
    return s / jnp.clip(c, 1.0)[:, None]


def _gcn(x, edge_index, W, b, n):
    # GCNConv with self-loops and symmetric degree normalization
    loop = jnp.arange(n, dtype=edge_index.dtype)
    src = jnp.concatenate([edge_index[0], loop])
    dst = jnp.concatenate([edge_index[1], loop])
    deg = jax.ops.segment_sum(jnp.ones(src.shape, x.dtype), dst, num_segments=n)
    dinv = jax.lax.rsqrt(jnp.clip(deg, 1.0))
    norm = dinv[src] * dinv[dst]
    h = x @ W
    return jax.ops.segment_sum(h[src] * norm[:, None], dst, num_segments=n) + b


def reference(embedding, down2up_path, same_level_edge_index, up2down_edge_index,
              W_d2u, b_d2u, W_gcn, b_gcn, W_u2d, b_u2d):
    n = embedding.shape[0]
    # Down2Up_layer: aggregate along down->up hierarchy paths, transform, residual
    embed = jax.nn.relu(_agg_mean(embedding, down2up_path, n) @ W_d2u + b_d2u) + embedding
    # same-level GNN layer (GCNConv)
    embed = _gcn(embed, same_level_edge_index, W_gcn, b_gcn, n)
    # Up2Down_layer: aggregate along up->down hierarchy edges, transform, residual
    embed = jax.nn.relu(_agg_mean(embed, up2down_edge_index, n) @ W_u2d + b_u2d) + embed
    return embed

if __name__ == "__main__":
    import jax
    _d = setup_inputs()
    print(jax.jit(kernel)(*tuple(_d.values())))

</pallas_src>

<mosaic_0001>
#map = affine_map<(d0, d1) -> (0, 0, 0)>
module attributes {stable_mosaic.version = 14 : i64} {
  func.func @_sc_counts_body(%arg0: i32, %arg1: i32, %arg2: memref<32x625x16xi32, #tpu.memory_space<hbm>>, %arg3: memref<32x625x16xi32, #tpu.memory_space<hbm>>, %arg4: memref<32x625x16xi32, #tpu.memory_space<hbm>>, %arg5: memref<3x32x10000xf32, #tpu.memory_space<hbm>>, %arg6: memref<625x16xi32, #tpu.memory_space<vmem>>, %arg7: memref<10000xf32, #tpu.memory_space<vmem>>) attributes {dimension_semantics = [#tpu.dimension_semantics<core_parallel>, #tpu.dimension_semantics<subcore_parallel>], iteration_bounds = array<i64: 2, 16>, scalar_prefetch = 0 : i64, scratch_operands = 2 : i64, tpu.core_type = #tpu.core_type<sc_vector_subcore>, window_params = [{transform_indices = #map}, {transform_indices = #map}, {transform_indices = #map}, {transform_indices = #map}]} {
    %mul3A = arith.constant 2 : i32
    %mul3A_0 = arith.muli %arg1, %mul3A : i32
    %add3A = arith.addi %mul3A_0, %arg0 : i32
    "tpu.region"() ({
      %run_scoped3A_44 = tpu.sem_alloc : memref<!tpu.dma_semaphore, #tpu.memory_space<semaphore_mem>>
      %dma_start3A = arith.constant 0 : i32
      %dma_start3A_45 = arith.constant 0 : i32
      %dma_start3A_46 = tpu.memref_slice %arg2[%add3A, %dma_start3A, %dma_start3A_45] : memref<32x625x16xi32, #tpu.memory_space<hbm>> -> memref<1x625x16xi32, #tpu.memory_space<hbm>>
      %dma_start3A_47 = tpu.memref_squeeze %dma_start3A_46 : memref<1x625x16xi32, #tpu.memory_space<hbm>> -> memref<625x16xi32, #tpu.memory_space<hbm>>
      %dma_start3A_48 = arith.constant 0 : i32
      %dma_start3A_49 = arith.constant 0 : i32
      %dma_start3A_50 = tpu.memref_slice %arg2[%add3A, %dma_start3A_48, %dma_start3A_49] : memref<32x625x16xi32, #tpu.memory_space<hbm>> -> memref<1x625x16xi32, #tpu.memory_space<hbm>>
      %dma_start3A_51 = tpu.memref_squeeze %dma_start3A_50 : memref<1x625x16xi32, #tpu.memory_space<hbm>> -> memref<625x16xi32, #tpu.memory_space<hbm>>
      tpu.enqueue_dma source(%dma_start3A_51 : memref<625x16xi32, #tpu.memory_space<hbm>>) target(%arg6 : memref<625x16xi32, #tpu.memory_space<vmem>>) target_semaphore(%run_scoped3A_44 : memref<!tpu.dma_semaphore, #tpu.memory_space<semaphore_mem>>)
      %dma_wait3A = arith.constant 0 : i32
      %dma_wait3A_52 = arith.constant 0 : i32
      %dma_wait3A_53 = tpu.memref_slice %arg2[%add3A, %dma_wait3A, %dma_wait3A_52] : memref<32x625x16xi32, #tpu.memory_space<hbm>> -> memref<1x625x16xi32, #tpu.memory_space<hbm>>
      %dma_wait3A_54 = tpu.memref_squeeze %dma_wait3A_53 : memref<1x625x16xi32, #tpu.memory_space<hbm>> -> memref<625x16xi32, #tpu.memory_space<hbm>>
      %dma_wait3A_55 = arith.constant 0 : i32
      %dma_wait3A_56 = arith.constant 0 : i32
      %dma_wait3A_57 = tpu.memref_slice %arg2[%add3A, %dma_wait3A_55, %dma_wait3A_56] : memref<32x625x16xi32, #tpu.memory_space<hbm>> -> memref<1x625x16xi32, #tpu.memory_space<hbm>>
      %dma_wait3A_58 = tpu.memref_squeeze %dma_wait3A_57 : memref<1x625x16xi32, #tpu.memory_space<hbm>> -> memref<625x16xi32, #tpu.memory_space<hbm>>
      tpu.wait_dma2 semaphore(%run_scoped3A_44 : memref<!tpu.dma_semaphore, #tpu.memory_space<semaphore_mem>>) src(%dma_wait3A_58 : memref<625x16xi32, #tpu.memory_space<hbm>>) dst(%arg6 : memref<625x16xi32, #tpu.memory_space<vmem>>)
      tpu.yield
    }) : () -> ()
    %scan3A = arith.constant 0 : i32
    %scan3A_1 = arith.constant 0 : i32
    %scan3A_2 = arith.constant 125 : i32
    %scan3A_3 = arith.addi %scan3A_1, %scan3A_2 : i32
    %scan3A_4 = arith.constant 1 : i32
    %scan3A_5 = scf.for %scan3A_44 = %scan3A_1 to %scan3A_3 step %scan3A_4 iter_args(%scan3A_45 = %scan3A) -> (i32)  : i32 {
      %broadcast_in_dim3A = arith.constant 0.000000e+00 : f32
      %broadcast_in_dim3A_46 = vector.broadcast %broadcast_in_dim3A : f32 to vector<16xf32>
      %mul3A_47 = arith.constant 5 : i32
      %mul3A_48 = arith.muli %scan3A_44, %mul3A_47 : i32
      %add3A_49 = arith.constant 0 : i32
      %add3A_50 = arith.addi %mul3A_48, %add3A_49 : i32
      %mul3A_51 = arith.constant 16 : i32
      %mul3A_52 = arith.muli %add3A_50, %mul3A_51 : i32
      %swap3A = arith.index_cast %mul3A_52 : i32 to index
      %swap3A_53 = tpu.vector_load %arg7[%swap3A] {strides = array<i32>} : memref<10000xf32, #tpu.memory_space<vmem>>, vector<16xf32>,
      tpu.vector_store %arg7[%swap3A], %broadcast_in_dim3A_46 {strides = array<i32>} : memref<10000xf32, #tpu.memory_space<vmem>>, vector<16xf32>,
      %broadcast_in_dim3A_54 = arith.constant 0.000000e+00 : f32
      %broadcast_in_dim3A_55 = vector.broadcast %broadcast_in_dim3A_54 : f32 to vector<16xf32>
      %mul3A_56 = arith.constant 5 : i32
      %mul3A_57 = arith.muli %scan3A_44, %mul3A_56 : i32
      %add3A_58 = arith.constant 1 : i32
      %add3A_59 = arith.addi %mul3A_57, %add3A_58 : i32
      %mul3A_60 = arith.constant 16 : i32
      %mul3A_61 = arith.muli %add3A_59, %mul3A_60 : i32
      %swap3A_62 = arith.index_cast %mul3A_61 : i32 to index
      %swap3A_63 = tpu.vector_load %arg7[%swap3A_62] {strides = array<i32>} : memref<10000xf32, #tpu.memory_space<vmem>>, vector<16xf32>,
      tpu.vector_store %arg7[%swap3A_62], %broadcast_in_dim3A_55 {strides = array<i32>} : memref<10000xf32, #tpu.memory_space<vmem>>, vector<16xf32>,
      %broadcast_in_dim3A_64 = arith.constant 0.000000e+00 : f32
      %broadcast_in_dim3A_65 = vector.broadcast %broadcast_in_dim3A_64 : f32 to vector<16xf32>
      %mul3A_66 = arith.constant 5 : i32
      %mul3A_67 = arith.muli %scan3A_44, %mul3A_66 : i32
      %add3A_68 = arith.constant 2 : i32
      %add3A_69 = arith.addi %mul3A_67, %add3A_68 : i32
      %mul3A_70 = arith.constant 16 : i32
      %mul3A_71 = arith.muli %add3A_69, %mul3A_70 : i32
      %swap3A_72 = arith.index_cast %mul3A_71 : i32 to index
      %swap3A_73 = tpu.vector_load %arg7[%swap3A_72] {strides = array<i32>} : memref<10000xf32, #tpu.memory_space<vmem>>, vector<16xf32>,
      tpu.vector_store %arg7[%swap3A_72], %broadcast_in_dim3A_65 {strides = array<i32>} : memref<10000xf32, #tpu.memory_space<vmem>>, vector<16xf32>,
      %broadcast_in_dim3A_74 = arith.constant 0.000000e+00 : f32
      %broadcast_in_dim3A_75 = vector.broadcast %broadcast_in_dim3A_74 : f32 to vector<16xf32>
      %mul3A_76 = arith.constant 5 : i32
      %mul3A_77 = arith.muli %scan3A_44, %mul3A_76 : i32
      %add3A_78 = arith.constant 3 : i32
      %add3A_79 = arith.addi %mul3A_77, %add3A_78 : i32
      %mul3A_80 = arith.constant 16 : i32
      %mul3A_81 = arith.muli %add3A_79, %mul3A_80 : i32
      %swap3A_82 = arith.index_cast %mul3A_81 : i32 to index
      %swap3A_83 = tpu.vector_load %arg7[%swap3A_82] {strides = array<i32>} : memref<10000xf32, #tpu.memory_space<vmem>>, vector<16xf32>,
      tpu.vector_store %arg7[%swap3A_82], %broadcast_in_dim3A_75 {strides = array<i32>} : memref<10000xf32, #tpu.memory_space<vmem>>, vector<16xf32>,
      %broadcast_in_dim3A_84 = arith.constant 0.000000e+00 : f32
      %broadcast_in_dim3A_85 = vector.broadcast %broadcast_in_dim3A_84 : f32 to vector<16xf32>
      %mul3A_86 = arith.constant 5 : i32
      %mul3A_87 = arith.muli %scan3A_44, %mul3A_86 : i32
      %add3A_88 = arith.constant 4 : i32
      %add3A_89 = arith.addi %mul3A_87, %add3A_88 : i32
      %mul3A_90 = arith.constant 16 : i32
      %mul3A_91 = arith.muli %add3A_89, %mul3A_90 : i32
      %swap3A_92 = arith.index_cast %mul3A_91 : i32 to index
      %swap3A_93 = tpu.vector_load %arg7[%swap3A_92] {strides = array<i32>} : memref<10000xf32, #tpu.memory_space<vmem>>, vector<16xf32>,
      tpu.vector_store %arg7[%swap3A_92], %broadcast_in_dim3A_85 {strides = array<i32>} : memref<10000xf32, #tpu.memory_space<vmem>>, vector<16xf32>,
      %scan3A_94 = arith.constant 0 : i32
      scf.yield %scan3A_94 : i32
    }
    %scan3A_6 = arith.constant 125 : i32
    %scan3A_7 = arith.constant 0 : i32
    %scan3A_8 = arith.constant 0 : i32
    %scan3A_9 = arith.constant 625 : i32
    %scan3A_10 = arith.addi %scan3A_8, %scan3A_9 : i32
    %scan3A_11 = arith.constant 1 : i32
    %scan3A_12 = scf.for %scan3A_44 = %scan3A_8 to %scan3A_10 step %scan3A_11 iter_args(%scan3A_45 = %scan3A_7) -> (i32)  : i32 {
      %get3A = arith.index_cast %scan3A_44 : i32 to index
      %get3A_46 = arith.constant 0 : index
      %get3A_47 = tpu.vector_load %arg6[%get3A, %get3A_46] {strides = array<i32>} : memref<625x16xi32, #tpu.memory_space<vmem>>, vector<16xi32>,
      %broadcast_in_dim3A = arith.constant 1.000000e+00 : f32
      %broadcast_in_dim3A_48 = vector.broadcast %broadcast_in_dim3A : f32 to vector<16xf32>
      tpu.vector_store_idx %arg7[%get3A_47], %broadcast_in_dim3A_48 {add = true} : memref<10000xf32, #tpu.memory_space<vmem>>[vector<16xi32>], vector<16xf32>,
      %scan3A_49 = arith.constant 0 : i32
      scf.yield %scan3A_49 : i32
    }
    %scan3A_13 = arith.constant 625 : i32
    %run_scoped3A = arith.constant 0 : i32
    "tpu.region"() ({
      %run_scoped3A_44 = tpu.sem_alloc : memref<!tpu.dma_semaphore, #tpu.memory_space<semaphore_mem>>
      %dma_start3A = arith.constant 0 : i32
      %dma_start3A_45 = tpu.memref_slice %arg5[%run_scoped3A, %add3A, %dma_start3A] : memref<3x32x10000xf32, #tpu.memory_space<hbm>> -> memref<1x1x10000xf32, #tpu.memory_space<hbm>>
      %dma_start3A_46 = tpu.memref_squeeze %dma_start3A_45 : memref<1x1x10000xf32, #tpu.memory_space<hbm>> -> memref<10000xf32, #tpu.memory_space<hbm>>
      %dma_start3A_47 = arith.constant 0 : i32
      %dma_start3A_48 = tpu.memref_slice %arg5[%run_scoped3A, %add3A, %dma_start3A_47] : memref<3x32x10000xf32, #tpu.memory_space<hbm>> -> memref<1x1x10000xf32, #tpu.memory_space<hbm>>
      %dma_start3A_49 = tpu.memref_squeeze %dma_start3A_48 : memref<1x1x10000xf32, #tpu.memory_space<hbm>> -> memref<10000xf32, #tpu.memory_space<hbm>>
      tpu.enqueue_dma source(%arg7 : memref<10000xf32, #tpu.memory_space<vmem>>) target(%dma_start3A_49 : memref<10000xf32, #tpu.memory_space<hbm>>) target_semaphore(%run_scoped3A_44 : memref<!tpu.dma_semaphore, #tpu.memory_space<semaphore_mem>>)
      %dma_wait3A = arith.constant 0 : i32
      %dma_wait3A_50 = tpu.memref_slice %arg5[%run_scoped3A, %add3A, %dma_wait3A] : memref<3x32x10000xf32, #tpu.memory_space<hbm>> -> memref<1x1x10000xf32, #tpu.memory_space<hbm>>
      %dma_wait3A_51 = tpu.memref_squeeze %dma_wait3A_50 : memref<1x1x10000xf32, #tpu.memory_space<hbm>> -> memref<10000xf32, #tpu.memory_space<hbm>>
      %dma_wait3A_52 = arith.constant 0 : i32
      %dma_wait3A_53 = tpu.memref_slice %arg5[%run_scoped3A, %add3A, %dma_wait3A_52] : memref<3x32x10000xf32, #tpu.memory_space<hbm>> -> memref<1x1x10000xf32, #tpu.memory_space<hbm>>
      %dma_wait3A_54 = tpu.memref_squeeze %dma_wait3A_53 : memref<1x1x10000xf32, #tpu.memory_space<hbm>> -> memref<10000xf32, #tpu.memory_space<hbm>>
      tpu.wait_dma2 semaphore(%run_scoped3A_44 : memref<!tpu.dma_semaphore, #tpu.memory_space<semaphore_mem>>) src(%arg7 : memref<10000xf32, #tpu.memory_space<vmem>>) dst(%dma_wait3A_54 : memref<10000xf32, #tpu.memory_space<hbm>>)
      tpu.yield
    }) : () -> ()
    "tpu.region"() ({
      %run_scoped3A_44 = tpu.sem_alloc : memref<!tpu.dma_semaphore, #tpu.memory_space<semaphore_mem>>
      %dma_start3A = arith.constant 0 : i32
      %dma_start3A_45 = arith.constant 0 : i32
      %dma_start3A_46 = tpu.memref_slice %arg3[%add3A, %dma_start3A, %dma_start3A_45] : memref<32x625x16xi32, #tpu.memory_space<hbm>> -> memref<1x625x16xi32, #tpu.memory_space<hbm>>
      %dma_start3A_47 = tpu.memref_squeeze %dma_start3A_46 : memref<1x625x16xi32, #tpu.memory_space<hbm>> -> memref<625x16xi32, #tpu.memory_space<hbm>>
      %dma_start3A_48 = arith.constant 0 : i32
      %dma_start3A_49 = arith.constant 0 : i32
      %dma_start3A_50 = tpu.memref_slice %arg3[%add3A, %dma_start3A_48, %dma_start3A_49] : memref<32x625x16xi32, #tpu.memory_space<hbm>> -> memref<1x625x16xi32, #tpu.memory_space<hbm>>
      %dma_start3A_51 = tpu.memref_squeeze %dma_start3A_50 : memref<1x625x16xi32, #tpu.memory_space<hbm>> -> memref<625x16xi32, #tpu.memory_space<hbm>>
      tpu.enqueue_dma source(%dma_start3A_51 : memref<625x16xi32, #tpu.memory_space<hbm>>) target(%arg6 : memref<625x16xi32, #tpu.memory_space<vmem>>) target_semaphore(%run_scoped3A_44 : memref<!tpu.dma_semaphore, #tpu.memory_space<semaphore_mem>>)
      %dma_wait3A = arith.constant 0 : i32
      %dma_wait3A_52 = arith.constant 0 : i32
      %dma_wait3A_53 = tpu.memref_slice %arg3[%add3A, %dma_wait3A, %dma_wait3A_52] : memref<32x625x16xi32, #tpu.memory_space<hbm>> -> memref<1x625x16xi32, #tpu.memory_space<hbm>>
      %dma_wait3A_54 = tpu.memref_squeeze %dma_wait3A_53 : memref<1x625x16xi32, #tpu.memory_space<hbm>> -> memref<625x16xi32, #tpu.memory_space<hbm>>
      %dma_wait3A_55 = arith.constant 0 : i32
      %dma_wait3A_56 = arith.constant 0 : i32
      %dma_wait3A_57 = tpu.memref_slice %arg3[%add3A, %dma_wait3A_55, %dma_wait3A_56] : memref<32x625x16xi32, #tpu.memory_space<hbm>> -> memref<1x625x16xi32, #tpu.memory_space<hbm>>
      %dma_wait3A_58 = tpu.memref_squeeze %dma_wait3A_57 : memref<1x625x16xi32, #tpu.memory_space<hbm>> -> memref<625x16xi32, #tpu.memory_space<hbm>>
      tpu.wait_dma2 semaphore(%run_scoped3A_44 : memref<!tpu.dma_semaphore, #tpu.memory_space<semaphore_mem>>) src(%dma_wait3A_58 : memref<625x16xi32, #tpu.memory_space<hbm>>) dst(%arg6 : memref<625x16xi32, #tpu.memory_space<vmem>>)
      tpu.yield
    }) : () -> ()
    %scan3A_14 = arith.constant 0 : i32
    %scan3A_15 = arith.constant 0 : i32
    %scan3A_16 = arith.constant 125 : i32
    %scan3A_17 = arith.addi %scan3A_15, %scan3A_16 : i32
    %scan3A_18 = arith.constant 1 : i32
    %scan3A_19 = scf.for %scan3A_44 = %scan3A_15 to %scan3A_17 step %scan3A_18 iter_args(%scan3A_45 = %scan3A_14) -> (i32)  : i32 {
      %broadcast_in_dim3A = arith.constant 0.000000e+00 : f32
      %broadcast_in_dim3A_46 = vector.broadcast %broadcast_in_dim3A : f32 to vector<16xf32>
      %mul3A_47 = arith.constant 5 : i32
      %mul3A_48 = arith.muli %scan3A_44, %mul3A_47 : i32
      %add3A_49 = arith.constant 0 : i32
      %add3A_50 = arith.addi %mul3A_48, %add3A_49 : i32
      %mul3A_51 = arith.constant 16 : i32
      %mul3A_52 = arith.muli %add3A_50, %mul3A_51 : i32
      %swap3A = arith.index_cast %mul3A_52 : i32 to index
      %swap3A_53 = tpu.vector_load %arg7[%swap3A] {strides = array<i32>} : memref<10000xf32, #tpu.memory_space<vmem>>, vector<16xf32>,
      tpu.vector_store %arg7[%swap3A], %broadcast_in_dim3A_46 {strides = array<i32>} : memref<10000xf32, #tpu.memory_space<vmem>>, vector<16xf32>,
      %broadcast_in_dim3A_54 = arith.constant 0.000000e+00 : f32
      %broadcast_in_dim3A_55 = vector.broadcast %broadcast_in_dim3A_54 : f32 to vector<16xf32>
      %mul3A_56 = arith.constant 5 : i32
      %mul3A_57 = arith.muli %scan3A_44, %mul3A_56 : i32
      %add3A_58 = arith.constant 1 : i32
      %add3A_59 = arith.addi %mul3A_57, %add3A_58 : i32
      %mul3A_60 = arith.constant 16 : i32
      %mul3A_61 = arith.muli %add3A_59, %mul3A_60 : i32
      %swap3A_62 = arith.index_cast %mul3A_61 : i32 to index
      %swap3A_63 = tpu.vector_load %arg7[%swap3A_62] {strides = array<i32>} : memref<10000xf32, #tpu.memory_space<vmem>>, vector<16xf32>,
      tpu.vector_store %arg7[%swap3A_62], %broadcast_in_dim3A_55 {strides = array<i32>} : memref<10000xf32, #tpu.memory_space<vmem>>, vector<16xf32>,
      %broadcast_in_dim3A_64 = arith.constant 0.000000e+00 : f32
      %broadcast_in_dim3A_65 = vector.broadcast %broadcast_in_dim3A_64 : f32 to vector<16xf32>
      %mul3A_66 = arith.constant 5 : i32
      %mul3A_67 = arith.muli %scan3A_44, %mul3A_66 : i32
      %add3A_68 = arith.constant 2 : i32
      %add3A_69 = arith.addi %mul3A_67, %add3A_68 : i32
      %mul3A_70 = arith.constant 16 : i32
      %mul3A_71 = arith.muli %add3A_69, %mul3A_70 : i32
      %swap3A_72 = arith.index_cast %mul3A_71 : i32 to index
      %swap3A_73 = tpu.vector_load %arg7[%swap3A_72] {strides = array<i32>} : memref<10000xf32, #tpu.memory_space<vmem>>, vector<16xf32>,
      tpu.vector_store %arg7[%swap3A_72], %broadcast_in_dim3A_65 {strides = array<i32>} : memref<10000xf32, #tpu.memory_space<vmem>>, vector<16xf32>,
      %broadcast_in_dim3A_74 = arith.constant 0.000000e+00 : f32
      %broadcast_in_dim3A_75 = vector.broadcast %broadcast_in_dim3A_74 : f32 to vector<16xf32>
      %mul3A_76 = arith.constant 5 : i32
      %mul3A_77 = arith.muli %scan3A_44, %mul3A_76 : i32
      %add3A_78 = arith.constant 3 : i32
      %add3A_79 = arith.addi %mul3A_77, %add3A_78 : i32
      %mul3A_80 = arith.constant 16 : i32
      %mul3A_81 = arith.muli %add3A_79, %mul3A_80 : i32
      %swap3A_82 = arith.index_cast %mul3A_81 : i32 to index
      %swap3A_83 = tpu.vector_load %arg7[%swap3A_82] {strides = array<i32>} : memref<10000xf32, #tpu.memory_space<vmem>>, vector<16xf32>,
      tpu.vector_store %arg7[%swap3A_82], %broadcast_in_dim3A_75 {strides = array<i32>} : memref<10000xf32, #tpu.memory_space<vmem>>, vector<16xf32>,
      %broadcast_in_dim3A_84 = arith.constant 0.000000e+00 : f32
      %broadcast_in_dim3A_85 = vector.broadcast %broadcast_in_dim3A_84 : f32 to vector<16xf32>
      %mul3A_86 = arith.constant 5 : i32
      %mul3A_87 = arith.muli %scan3A_44, %mul3A_86 : i32
      %add3A_88 = arith.constant 4 : i32
      %add3A_89 = arith.addi %mul3A_87, %add3A_88 : i32
      %mul3A_90 = arith.constant 16 : i32
      %mul3A_91 = arith.muli %add3A_89, %mul3A_90 : i32
      %swap3A_92 = arith.index_cast %mul3A_91 : i32 to index
      %swap3A_93 = tpu.vector_load %arg7[%swap3A_92] {strides = array<i32>} : memref<10000xf32, #tpu.memory_space<vmem>>, vector<16xf32>,
      tpu.vector_store %arg7[%swap3A_92], %broadcast_in_dim3A_85 {strides = array<i32>} : memref<10000xf32, #tpu.memory_space<vmem>>, vector<16xf32>,
      %scan3A_94 = arith.constant 0 : i32
      scf.yield %scan3A_94 : i32
    }
    %scan3A_20 = arith.constant 125 : i32
    %scan3A_21 = arith.constant 0 : i32
    %scan3A_22 = arith.constant 0 : i32
    %scan3A_23 = arith.constant 625 : i32
    %scan3A_24 = arith.addi %scan3A_22, %scan3A_23 : i32
    %scan3A_25 = arith.constant 1 : i32
    %scan3A_26 = scf.for %scan3A_44 = %scan3A_22 to %scan3A_24 step %scan3A_25 iter_args(%scan3A_45 = %scan3A_21) -> (i32)  : i32 {
      %get3A = arith.index_cast %scan3A_44 : i32 to index
      %get3A_46 = arith.constant 0 : index
      %get3A_47 = tpu.vector_load %arg6[%get3A, %get3A_46] {strides = array<i32>} : memref<625x16xi32, #tpu.memory_space<vmem>>, vector<16xi32>,
      %broadcast_in_dim3A = arith.constant 1.000000e+00 : f32
      %broadcast_in_dim3A_48 = vector.broadcast %broadcast_in_dim3A : f32 to vector<16xf32>
      tpu.vector_store_idx %arg7[%get3A_47], %broadcast_in_dim3A_48 {add = true} : memref<10000xf32, #tpu.memory_space<vmem>>[vector<16xi32>], vector<16xf32>,
      %scan3A_49 = arith.constant 0 : i32
      scf.yield %scan3A_49 : i32
    }
    %scan3A_27 = arith.constant 625 : i32
    %run_scoped3A_28 = arith.constant 1 : i32
    "tpu.region"() ({
      %run_scoped3A_44 = tpu.sem_alloc : memref<!tpu.dma_semaphore, #tpu.memory_space<semaphore_mem>>
      %dma_start3A = arith.constant 0 : i32
      %dma_start3A_45 = tpu.memref_slice %arg5[%run_scoped3A_28, %add3A, %dma_start3A] : memref<3x32x10000xf32, #tpu.memory_space<hbm>> -> memref<1x1x10000xf32, #tpu.memory_space<hbm>>
      %dma_start3A_46 = tpu.memref_squeeze %dma_start3A_45 : memref<1x1x10000xf32, #tpu.memory_space<hbm>> -> memref<10000xf32, #tpu.memory_space<hbm>>
      %dma_start3A_47 = arith.constant 0 : i32
      %dma_start3A_48 = tpu.memref_slice %arg5[%run_scoped3A_28, %add3A, %dma_start3A_47] : memref<3x32x10000xf32, #tpu.memory_space<hbm>> -> memref<1x1x10000xf32, #tpu.memory_space<hbm>>
      %dma_start3A_49 = tpu.memref_squeeze %dma_start3A_48 : memref<1x1x10000xf32, #tpu.memory_space<hbm>> -> memref<10000xf32, #tpu.memory_space<hbm>>
      tpu.enqueue_dma source(%arg7 : memref<10000xf32, #tpu.memory_space<vmem>>) target(%dma_start3A_49 : memref<10000xf32, #tpu.memory_space<hbm>>) target_semaphore(%run_scoped3A_44 : memref<!tpu.dma_semaphore, #tpu.memory_space<semaphore_mem>>)
      %dma_wait3A = arith.constant 0 : i32
      %dma_wait3A_50 = tpu.memref_slice %arg5[%run_scoped3A_28, %add3A, %dma_wait3A] : memref<3x32x10000xf32, #tpu.memory_space<hbm>> -> memref<1x1x10000xf32, #tpu.memory_space<hbm>>
      %dma_wait3A_51 = tpu.memref_squeeze %dma_wait3A_50 : memref<1x1x10000xf32, #tpu.memory_space<hbm>> -> memref<10000xf32, #tpu.memory_space<hbm>>
      %dma_wait3A_52 = arith.constant 0 : i32
      %dma_wait3A_53 = tpu.memref_slice %arg5[%run_scoped3A_28, %add3A, %dma_wait3A_52] : memref<3x32x10000xf32, #tpu.memory_space<hbm>> -> memref<1x1x10000xf32, #tpu.memory_space<hbm>>
      %dma_wait3A_54 = tpu.memref_squeeze %dma_wait3A_53 : memref<1x1x10000xf32, #tpu.memory_space<hbm>> -> memref<10000xf32, #tpu.memory_space<hbm>>
      tpu.wait_dma2 semaphore(%run_scoped3A_44 : memref<!tpu.dma_semaphore, #tpu.memory_space<semaphore_mem>>) src(%arg7 : memref<10000xf32, #tpu.memory_space<vmem>>) dst(%dma_wait3A_54 : memref<10000xf32, #tpu.memory_space<hbm>>)
      tpu.yield
    }) : () -> ()
    "tpu.region"() ({
      %run_scoped3A_44 = tpu.sem_alloc : memref<!tpu.dma_semaphore, #tpu.memory_space<semaphore_mem>>
      %dma_start3A = arith.constant 0 : i32
      %dma_start3A_45 = arith.constant 0 : i32
      %dma_start3A_46 = tpu.memref_slice %arg4[%add3A, %dma_start3A, %dma_start3A_45] : memref<32x625x16xi32, #tpu.memory_space<hbm>> -> memref<1x625x16xi32, #tpu.memory_space<hbm>>
      %dma_start3A_47 = tpu.memref_squeeze %dma_start3A_46 : memref<1x625x16xi32, #tpu.memory_space<hbm>> -> memref<625x16xi32, #tpu.memory_space<hbm>>
      %dma_start3A_48 = arith.constant 0 : i32
      %dma_start3A_49 = arith.constant 0 : i32
      %dma_start3A_50 = tpu.memref_slice %arg4[%add3A, %dma_start3A_48, %dma_start3A_49] : memref<32x625x16xi32, #tpu.memory_space<hbm>> -> memref<1x625x16xi32, #tpu.memory_space<hbm>>
      %dma_start3A_51 = tpu.memref_squeeze %dma_start3A_50 : memref<1x625x16xi32, #tpu.memory_space<hbm>> -> memref<625x16xi32, #tpu.memory_space<hbm>>
      tpu.enqueue_dma source(%dma_start3A_51 : memref<625x16xi32, #tpu.memory_space<hbm>>) target(%arg6 : memref<625x16xi32, #tpu.memory_space<vmem>>) target_semaphore(%run_scoped3A_44 : memref<!tpu.dma_semaphore, #tpu.memory_space<semaphore_mem>>)
      %dma_wait3A = arith.constant 0 : i32
      %dma_wait3A_52 = arith.constant 0 : i32
      %dma_wait3A_53 = tpu.memref_slice %arg4[%add3A, %dma_wait3A, %dma_wait3A_52] : memref<32x625x16xi32, #tpu.memory_space<hbm>> -> memref<1x625x16xi32, #tpu.memory_space<hbm>>
      %dma_wait3A_54 = tpu.memref_squeeze %dma_wait3A_53 : memref<1x625x16xi32, #tpu.memory_space<hbm>> -> memref<625x16xi32, #tpu.memory_space<hbm>>
      %dma_wait3A_55 = arith.constant 0 : i32
      %dma_wait3A_56 = arith.constant 0 : i32
      %dma_wait3A_57 = tpu.memref_slice %arg4[%add3A, %dma_wait3A_55, %dma_wait3A_56] : memref<32x625x16xi32, #tpu.memory_space<hbm>> -> memref<1x625x16xi32, #tpu.memory_space<hbm>>
      %dma_wait3A_58 = tpu.memref_squeeze %dma_wait3A_57 : memref<1x625x16xi32, #tpu.memory_space<hbm>> -> memref<625x16xi32, #tpu.memory_space<hbm>>
      tpu.wait_dma2 semaphore(%run_scoped3A_44 : memref<!tpu.dma_semaphore, #tpu.memory_space<semaphore_mem>>) src(%dma_wait3A_58 : memref<625x16xi32, #tpu.memory_space<hbm>>) dst(%arg6 : memref<625x16xi32, #tpu.memory_space<vmem>>)
      tpu.yield
    }) : () -> ()
    %scan3A_29 = arith.constant 0 : i32
    %scan3A_30 = arith.constant 0 : i32
    %scan3A_31 = arith.constant 125 : i32
    %scan3A_32 = arith.addi %scan3A_30, %scan3A_31 : i32
    %scan3A_33 = arith.constant 1 : i32
    %scan3A_34 = scf.for %scan3A_44 = %scan3A_30 to %scan3A_32 step %scan3A_33 iter_args(%scan3A_45 = %scan3A_29) -> (i32)  : i32 {
      %broadcast_in_dim3A = arith.constant 0.000000e+00 : f32
      %broadcast_in_dim3A_46 = vector.broadcast %broadcast_in_dim3A : f32 to vector<16xf32>
      %mul3A_47 = arith.constant 5 : i32
      %mul3A_48 = arith.muli %scan3A_44, %mul3A_47 : i32
      %add3A_49 = arith.constant 0 : i32
      %add3A_50 = arith.addi %mul3A_48, %add3A_49 : i32
      %mul3A_51 = arith.constant 16 : i32
      %mul3A_52 = arith.muli %add3A_50, %mul3A_51 : i32
      %swap3A = arith.index_cast %mul3A_52 : i32 to index
      %swap3A_53 = tpu.vector_load %arg7[%swap3A] {strides = array<i32>} : memref<10000xf32, #tpu.memory_space<vmem>>, vector<16xf32>,
      tpu.vector_store %arg7[%swap3A], %broadcast_in_dim3A_46 {strides = array<i32>} : memref<10000xf32, #tpu.memory_space<vmem>>, vector<16xf32>,
      %broadcast_in_dim3A_54 = arith.constant 0.000000e+00 : f32
      %broadcast_in_dim3A_55 = vector.broadcast %broadcast_in_dim3A_54 : f32 to vector<16xf32>
      %mul3A_56 = arith.constant 5 : i32
      %mul3A_57 = arith.muli %scan3A_44, %mul3A_56 : i32
      %add3A_58 = arith.constant 1 : i32
      %add3A_59 = arith.addi %mul3A_57, %add3A_58 : i32
      %mul3A_60 = arith.constant 16 : i32
      %mul3A_61 = arith.muli %add3A_59, %mul3A_60 : i32
      %swap3A_62 = arith.index_cast %mul3A_61 : i32 to index
      %swap3A_63 = tpu.vector_load %arg7[%swap3A_62] {strides = array<i32>} : memref<10000xf32, #tpu.memory_space<vmem>>, vector<16xf32>,
      tpu.vector_store %arg7[%swap3A_62], %broadcast_in_dim3A_55 {strides = array<i32>} : memref<10000xf32, #tpu.memory_space<vmem>>, vector<16xf32>,
      %broadcast_in_dim3A_64 = arith.constant 0.000000e+00 : f32
      %broadcast_in_dim3A_65 = vector.broadcast %broadcast_in_dim3A_64 : f32 to vector<16xf32>
      %mul3A_66 = arith.constant 5 : i32
      %mul3A_67 = arith.muli %scan3A_44, %mul3A_66 : i32
      %add3A_68 = arith.constant 2 : i32
      %add3A_69 = arith.addi %mul3A_67, %add3A_68 : i32
      %mul3A_70 = arith.constant 16 : i32
      %mul3A_71 = arith.muli %add3A_69, %mul3A_70 : i32
      %swap3A_72 = arith.index_cast %mul3A_71 : i32 to index
      %swap3A_73 = tpu.vector_load %arg7[%swap3A_72] {strides = array<i32>} : memref<10000xf32, #tpu.memory_space<vmem>>, vector<16xf32>,
      tpu.vector_store %arg7[%swap3A_72], %broadcast_in_dim3A_65 {strides = array<i32>} : memref<10000xf32, #tpu.memory_space<vmem>>, vector<16xf32>,
      %broadcast_in_dim3A_74 = arith.constant 0.000000e+00 : f32
      %broadcast_in_dim3A_75 = vector.broadcast %broadcast_in_dim3A_74 : f32 to vector<16xf32>
      %mul3A_76 = arith.constant 5 : i32
      %mul3A_77 = arith.muli %scan3A_44, %mul3A_76 : i32
      %add3A_78 = arith.constant 3 : i32
      %add3A_79 = arith.addi %mul3A_77, %add3A_78 : i32
      %mul3A_80 = arith.constant 16 : i32
      %mul3A_81 = arith.muli %add3A_79, %mul3A_80 : i32
      %swap3A_82 = arith.index_cast %mul3A_81 : i32 to index
      %swap3A_83 = tpu.vector_load %arg7[%swap3A_82] {strides = array<i32>} : memref<10000xf32, #tpu.memory_space<vmem>>, vector<16xf32>,
      tpu.vector_store %arg7[%swap3A_82], %broadcast_in_dim3A_75 {strides = array<i32>} : memref<10000xf32, #tpu.memory_space<vmem>>, vector<16xf32>,
      %broadcast_in_dim3A_84 = arith.constant 0.000000e+00 : f32
      %broadcast_in_dim3A_85 = vector.broadcast %broadcast_in_dim3A_84 : f32 to vector<16xf32>
      %mul3A_86 = arith.constant 5 : i32
      %mul3A_87 = arith.muli %scan3A_44, %mul3A_86 : i32
      %add3A_88 = arith.constant 4 : i32
      %add3A_89 = arith.addi %mul3A_87, %add3A_88 : i32
      %mul3A_90 = arith.constant 16 : i32
      %mul3A_91 = arith.muli %add3A_89, %mul3A_90 : i32
      %swap3A_92 = arith.index_cast %mul3A_91 : i32 to index
      %swap3A_93 = tpu.vector_load %arg7[%swap3A_92] {strides = array<i32>} : memref<10000xf32, #tpu.memory_space<vmem>>, vector<16xf32>,
      tpu.vector_store %arg7[%swap3A_92], %broadcast_in_dim3A_85 {strides = array<i32>} : memref<10000xf32, #tpu.memory_space<vmem>>, vector<16xf32>,
      %scan3A_94 = arith.constant 0 : i32
      scf.yield %scan3A_94 : i32
    }
    %scan3A_35 = arith.constant 125 : i32
    %scan3A_36 = arith.constant 0 : i32
    %scan3A_37 = arith.constant 0 : i32
    %scan3A_38 = arith.constant 625 : i32
    %scan3A_39 = arith.addi %scan3A_37, %scan3A_38 : i32
    %scan3A_40 = arith.constant 1 : i32
    %scan3A_41 = scf.for %scan3A_44 = %scan3A_37 to %scan3A_39 step %scan3A_40 iter_args(%scan3A_45 = %scan3A_36) -> (i32)  : i32 {
      %get3A = arith.index_cast %scan3A_44 : i32 to index
      %get3A_46 = arith.constant 0 : index
      %get3A_47 = tpu.vector_load %arg6[%get3A, %get3A_46] {strides = array<i32>} : memref<625x16xi32, #tpu.memory_space<vmem>>, vector<16xi32>,
      %broadcast_in_dim3A = arith.constant 1.000000e+00 : f32
      %broadcast_in_dim3A_48 = vector.broadcast %broadcast_in_dim3A : f32 to vector<16xf32>
      tpu.vector_store_idx %arg7[%get3A_47], %broadcast_in_dim3A_48 {add = true} : memref<10000xf32, #tpu.memory_space<vmem>>[vector<16xi32>], vector<16xf32>,
      %scan3A_49 = arith.constant 0 : i32
      scf.yield %scan3A_49 : i32
    }
    %scan3A_42 = arith.constant 625 : i32
    %run_scoped3A_43 = arith.constant 2 : i32
    "tpu.region"() ({
      %run_scoped3A_44 = tpu.sem_alloc : memref<!tpu.dma_semaphore, #tpu.memory_space<semaphore_mem>>
      %dma_start3A = arith.constant 0 : i32
      %dma_start3A_45 = tpu.memref_slice %arg5[%run_scoped3A_43, %add3A, %dma_start3A] : memref<3x32x10000xf32, #tpu.memory_space<hbm>> -> memref<1x1x10000xf32, #tpu.memory_space<hbm>>
      %dma_start3A_46 = tpu.memref_squeeze %dma_start3A_45 : memref<1x1x10000xf32, #tpu.memory_space<hbm>> -> memref<10000xf32, #tpu.memory_space<hbm>>
      %dma_start3A_47 = arith.constant 0 : i32
      %dma_start3A_48 = tpu.memref_slice %arg5[%run_scoped3A_43, %add3A, %dma_start3A_47] : memref<3x32x10000xf32, #tpu.memory_space<hbm>> -> memref<1x1x10000xf32, #tpu.memory_space<hbm>>
      %dma_start3A_49 = tpu.memref_squeeze %dma_start3A_48 : memref<1x1x10000xf32, #tpu.memory_space<hbm>> -> memref<10000xf32, #tpu.memory_space<hbm>>
      tpu.enqueue_dma source(%arg7 : memref<10000xf32, #tpu.memory_space<vmem>>) target(%dma_start3A_49 : memref<10000xf32, #tpu.memory_space<hbm>>) target_semaphore(%run_scoped3A_44 : memref<!tpu.dma_semaphore, #tpu.memory_space<semaphore_mem>>)
      %dma_wait3A = arith.constant 0 : i32
      %dma_wait3A_50 = tpu.memref_slice %arg5[%run_scoped3A_43, %add3A, %dma_wait3A] : memref<3x32x10000xf32, #tpu.memory_space<hbm>> -> memref<1x1x10000xf32, #tpu.memory_space<hbm>>
      %dma_wait3A_51 = tpu.memref_squeeze %dma_wait3A_50 : memref<1x1x10000xf32, #tpu.memory_space<hbm>> -> memref<10000xf32, #tpu.memory_space<hbm>>
      %dma_wait3A_52 = arith.constant 0 : i32
      %dma_wait3A_53 = tpu.memref_slice %arg5[%run_scoped3A_43, %add3A, %dma_wait3A_52] : memref<3x32x10000xf32, #tpu.memory_space<hbm>> -> memref<1x1x10000xf32, #tpu.memory_space<hbm>>
      %dma_wait3A_54 = tpu.memref_squeeze %dma_wait3A_53 : memref<1x1x10000xf32, #tpu.memory_space<hbm>> -> memref<10000xf32, #tpu.memory_space<hbm>>
      tpu.wait_dma2 semaphore(%run_scoped3A_44 : memref<!tpu.dma_semaphore, #tpu.memory_space<semaphore_mem>>) src(%arg7 : memref<10000xf32, #tpu.memory_space<vmem>>) dst(%dma_wait3A_54 : memref<10000xf32, #tpu.memory_space<hbm>>)
      tpu.yield
    }) : () -> ()
    return
  }
}

</mosaic_0001>

<sc_bundles>
// kernel: _sc_counts.3.cloned.1.call-start
scs
__scs_entry_jumppad:
0x0: {  	(pc) =	sbr.rel $0x88, $3  }
0x1: {  	(tag) =	ssettag $0x0;
	lr =	simm.s32 $0x1  }
0x2: {  	[smem:$0x3F9E] =	sst lr;
	_ =	strace $0xD0000000  }
0x3: {  	_ = 	snop  }
0x4: {  	_ = 	snop  }
0x5: {  	_ = 	snop  }
0x6: {  	_ = 	snop  }
0x7: {  	_ = 	snop  }
__scs_overlays_trampoline_lowered:
0x8: {  	[smem:$0x3FAD] =	sst s0  }
0x9: {  	[smem:$0x3FAE] =	sst s1  }
0xa: {  	[smem:$0x3FAF] =	sst s2  }
0xb: {  	[smem:$0x3FB0] =	sst s3  }
0xc: {  	[smem:$0x3FB1] =	sst s4  }
0xd: {  	[smem:$0x3FB2] =	sst s5  }
0xe: {  	[smem:$0x3FB3] =	sst s6  }
0xf: {  	[smem:$0x3FB4] =	sst s7  }
0x10: {  	[smem:$0x3FB5] =	sst s8  }
0x11: {  	[smem:$0x3FB6] =	sst s9;
	s0 =	simm.s32 @!p0 $0x0  }
0x12: {  	s1 =	sld [smem:$0x3F9C];
	s0 =	simm.s32 @p0 $0x1  }
0x13: {  	[smem:$0x3FB7] =	sst s0;
	s0 =	simm.s32 @!p1 $0x0  }
0x14: {  	s2 =	sld [smem:$0x3F9B];
	s0 =	simm.s32 @p1 $0x1  }
0x15: {  	[smem:$0x3FB8] =	sst s0;
	s0 =	simm.s32 @!p2 $0x0  }
0x16: {  	s3 =	sld [smem:$0x3FDB];
	s0 =	simm.s32 @p2 $0x1  }
0x17: {  	s4 =	simm.s32 $0x1BF5;
	[smem:$0x3FBA] =	sst s0  }
0x18: {  	s0 =	sld [smem:$0x3F9D];
	_ =	swait.ge [sflag:s4], $0x0  }
0x19: {  	s7 =	sld [smem:$0x3F9E]  }
0x1a: {  	s8 =	sadd.s32 $0xFFFFE003, lr  }
0x1b: {  	s9 =	sadd.s32 $0xFFFFFEF7, lr;
	s5 =	simm.s32 $0xFFFFFFFF;
	p2 =	slt.u32 s8, $0xFFFFF086  }
0x1c: {  	p1 =	slt.u32 s9, $0xF7A;
	s5 =	simm.s32 @!p2 $0x0  }
0x1d: {  	s5 =	simm.s32 @p1 $0x1;
	p0 =	seq.s32 s7, s2  }
0x1e: {  	s7 =	smul.u32 @!p0 $0xF7A, s2;
	p2 =	seq.s32 @!p0 s5, $0x0  }
0x1f: {  	s9 =	smul.u32 $0xF7A, s1;
	s8 =	simm.s32 @!p0 $0x1BF5;
	p2 =	por !p2, p0  }
0x20: {  	[sflag:s8] =	ssyncset.s32 @!p0 $0xFFFFF086;
	s6 =	sadd.s32 @!p0 s3, s7;
	s7 =	simm.s32 @!p0 $0x108  }
0x21: {  	s3 =	sadd.s32 s3, s9;
	s6 =	sadd.s32 @!p0 $0x88, s6;
	s7 =	simm.s32 @p2 $0x1082  }
0x22: {  	[simem:s7], [sflag:s8] =	dma.local @!p0 [hbm:s6], $0xF7A  }
0x23: {  	s9 =	sor.u32 $0xD0000000, s2;
	s6 =	simm.s32 $0x108;
	_ =	swait.ge @!p0 [sflag:s8], $0x0  }
0x24: {  	s3 =	sadd.s32 $0x88, s3;
	s6 =	simm.s32 @!p1 $0x1082;
	[sflag:s4] =	ssyncset.s32 $0xFFFFF086  }
0x25: {  	[simem:s6], [sflag:s4] =	dma.local [hbm:s3], $0xF7A  }
0x26: {  	[smem:$0x3F9E] =	sst s1;
	(tag) =	ssettag s2;
	_ =	strace s9  }
0x27: {  	s1 =	sld [smem:$0x3FAE]  }
0x28: {  	s2 =	sld [smem:$0x3FAF]  }
0x29: {  	s4 =	sld [smem:$0x3FB1]  }
0x2a: {  	p0 =	seq.s32 s5, $0x0;
	s5 =	sld [smem:$0x3FB2]  }
0x2b: {  	s6 =	sld [smem:$0x3FB3]  }
0x2c: {  	s7 =	sld [smem:$0x3FB4]  }
0x2d: {  	s3 =	simm.s32 $0x108;
	s8 =	sld [smem:$0x3FB5]  }
0x2e: {  	s3 =	simm.s32 @!p0 $0x1082;
	s9 =	sld [smem:$0x3FB6]  }
0x2f: {  	lr =	sadd.s32 s0, s3;
	s0 =	sld [smem:$0x3FAD]  }
0x30: {  	s3 =	sld [smem:$0x3FB0]  }
0x31: {  	[smem:$0x3FB9] =	sst s10  }
0x32: {  	s10 =	sld [smem:$0x3FB7];
	_ =	sdelay $0x3  }
0x33: {  	p0 =	seq.s32 s10, $0x1;
	s10 =	sld [smem:$0x3FB9];
	_ =	sdelay $0x3  }
0x34: {  	[smem:$0x3FB9] =	sst s10  }
0x35: {  	s10 =	sld [smem:$0x3FB8];
	_ =	sdelay $0x3  }
0x36: {  	p1 =	seq.s32 s10, $0x1;
	s10 =	sld [smem:$0x3FB9];
	_ =	sdelay $0x3  }
0x37: {  	[smem:$0x3FB9] =	sst s10  }
0x38: {  	s10 =	sld [smem:$0x3FBA]  }
0x39: {  	_ = 	snop;
	(pc) =	sbr.ind lr, $3  }
0x3a: {  	_ = 	snop  }
0x3b: {  	_ = 	snop  }
0x3c: {  	p2 =	seq.s32 s10, $0x1;
	s10 =	sld [smem:$0x3FB9]  }
0x3d: {  	_ =	shalt  }
0x3e: {  	_ =	shalt  }
0x3f: {  	_ =	shalt  }
0x40: {  	_ =	shalt  }
0x41: {  	_ =	shalt  }
0x42: {  	_ =	shalt  }
0x43: {  	_ =	shalt  }
0x44: {  	_ =	shalt  }
0x45: {  	_ =	shalt  }
0x46: {  	_ =	shalt  }
0x47: {  	_ =	shalt  }
0x48: {  	_ =	shalt  }
0x49: {  	_ =	shalt  }
0x4a: {  	_ =	shalt  }
0x4b: {  	_ =	shalt  }
0x4c: {  	_ =	shalt  }
0x4d: {  	_ =	shalt  }
0x4e: {  	_ =	shalt  }
0x4f: {  	_ =	shalt  }
0x50: {  	_ =	shalt  }
0x51: {  	_ =	shalt  }
0x52: {  	_ =	shalt  }
0x53: {  	_ =	shalt  }
0x54: {  	_ =	shalt  }
0x55: {  	_ =	shalt  }
0x56: {  	_ =	shalt  }
0x57: {  	_ =	shalt  }
0x58: {  	_ =	shalt  }
0x59: {  	_ =	shalt  }
0x5a: {  	_ =	shalt  }
0x5b: {  	_ =	shalt  }
0x5c: {  	_ =	shalt  }
0x5d: {  	_ =	shalt  }
0x5e: {  	_ =	shalt  }
0x5f: {  	_ =	shalt  }
0x60: {  	_ =	shalt  }
0x61: {  	_ =	shalt  }
0x62: {  	_ =	shalt  }
0x63: {  	_ =	shalt  }
0x64: {  	_ =	shalt  }
0x65: {  	_ =	shalt  }
0x66: {  	_ =	shalt  }
0x67: {  	_ =	shalt  }
0x68: {  	_ =	shalt  }
0x69: {  	_ =	shalt  }
0x6a: {  	_ =	shalt  }
0x6b: {  	_ =	shalt  }
0x6c: {  	_ =	shalt  }
0x6d: {  	_ =	shalt  }
0x6e: {  	_ =	shalt  }
0x6f: {  	_ =	shalt  }
0x70: {  	_ =	shalt  }
0x71: {  	_ =	shalt  }
0x72: {  	_ =	shalt  }
0x73: {  	_ =	shalt  }
0x74: {  	_ =	shalt  }
0x75: {  	_ =	shalt  }
0x76: {  	_ =	shalt  }
0x77: {  	_ =	shalt  }
0x78: {  	_ =	shalt  }
0x79: {  	_ =	shalt  }
0x7a: {  	_ =	shalt  }
0x7b: {  	_ =	shalt  }
0x7c: {  	_ =	shalt  }
0x7d: {  	_ =	shalt  }
0x7e: {  	_ =	shalt  }
0x7f: {  	_ =	shalt  }
0x80: {  	_ =	shalt  }
0x81: {  	_ =	shalt  }
0x82: {  	_ =	shalt  }
0x83: {  	_ =	shalt  }
0x84: {  	_ =	shalt  }
0x85: {  	_ =	shalt  }
0x86: {  	_ =	shalt  }
0x87: {  	_ =	shalt  }
.Lfunc_end0:
.L_simem_size_0:
called_computation_lowered:
.L_overlay_start_0:
0x88: {  	s2 =	sld [smem:$0x3FD9]  }
0x89: {  	s3 =	sld [smem:$0x3FFE];
	_ =	sdelay $0x1  }
0x8a: {  	s1 =	srdreg.scid  }
0x8b: {  	s0 =	sand.u32 $0x1, s1  }
0x8c: {  	s17 =	sshll.u32 s0, $0xA;
	s2 =	sadd.s32 s3, s2  }
0x8d: {  	s2 =	sadd.s32 s2, s17  }
0x8e: {  	[smem:$0x3FC5] =	sst s2  }
0x8f: {  	_ = 	snop  }
0x90: {  	s2 =	sld [smem:$0x3FD0];
	(tm) =	ssettm $0x1  }
0x91: {  	s18 =	sld [smem:$0x3FFB];
	_ =	sdelay $0x3  }
0x92: {  	_ =	strace s18  }
0x93: {  	s3 =	sld [smem:$0x3FFC];
	_ =	sdelay $0x3  }
0x94: {  	_ =	strace s3  }
0x95: {  	s3 =	sld [smem:$0x3FFD];
	_ =	sdelay $0x3  }
0x96: {  	_ =	strace s3  }
0x97: {  	_ =	strace $0x8FFFFFFF  }
0x98: {  	s19 =	sld [smem:$0x3FDB];
	_ =	sdelay $0x1  }
0x99: {  	s4 =	simm.s32 $_scs_section_size  }
0x9a: {  	s5 =	simm.s32 $_size__tile_overlayer_lowered;
	s6 =	simm.s32 $_tile_overlayer_lowered  }
0x9b: {  	s22 =	simm.s32 $0x1BFF;
	s21 =	sshll.u32 s6, $0x1;
	s3 =	sadd.s32 s4, s19  }
0x9c: {  	s7 =	simm.s32 $0x0;
	s20 =	sshll.u32 s5, $0x1;
	s5 =	sadd.s32 s21, s3  }
0x9d: {  	[timem:s7], [sflag:s22] =	dma.local [hbm:s5], s20  }
0x9e: {  	_ =	swait.ge [sflag:s22], s20  }
0x9f: {  	s4 =	ssub.s32 $0x0, s20;
	[sflag:s22] =	ssyncset.done $0x0  }
0xa0: {  	[sflag:s22] =	ssyncadd.s32 s4;
	_ =	sdelay $0x1  }
0xa1: {  	s23 =	simm.s32 $0x1B8B  }
0xa2: {  	_ =	swait.ge [sflag:s23], $0x1  }
0xa3: {  	[sflag:s23] =	ssyncset.done $0x0  }
0xa4: {  	s25 =	simm.s32 $0x1B8E;
	s24 =	sld [smem:$0x3FFE];
	[sflag:s23] =	ssyncadd.s32 $0xFFFFFFFF  }
0xa5: {  	s26 =	simm.s32 $execute0_lowered;
	[smem:$0x3FD2] =	sst s25  }
0xa6: {  	s5 =	sshll.u32 s26, $0x1;
	_ =	strace $0x80000046;
	[dreg:$0x1] =	wrdreg $0xFFFFFFFF  }
0xa7: {  	s28 =	simm.s32 $_size_execute0_lowered;
	s3 =	sadd.s32 s3, s5;
	[dreg:$0x0] =	wrdreg $0x0  }
0xa8: {  	s5 =	sshll.u32 s28, $0x1;
	[dreg:$0x2] =	wrdreg s3  }
0xa9: {  	[dreg:$0x3] =	wrdreg s5  }
0xaa: {  	[dreg:$0x4] =	wrdreg $0xC0  }
0xab: {  	_ =	task [dreg:s7], $0x5FFFF  }
0xac: {  	[dreg:$0x1] =	wrdreg $0xFFFFFFFF  }
0xad: {  	[dreg:$0x0] =	wrdreg $0x60  }
0xae: {  	[dreg:$0x2] =	wrdreg s24  }
0xaf: {  	[dreg:$0x3] =	wrdreg s2  }
0xb0: {  	[dreg:$0x4] =	wrdreg $0x9  }
0xb1: {  	_ =	task.clear_ibuf [dreg:s7], $0x5FFFF;
	_ =	strace $0x90000046  }
0xb2: {  	s29 =	simm.s32 $0x9;
	_ =	strace $0x80000048  }
0xb3: {  	_ =	swait.ge [sflag:s29], $0x1  }
0xb4: {  	[sflag:s29] =	ssyncadd.s32 $0xFFFFFFFF  }
0xb5: {  	_ =	strace $0x90000048  }
0xb6: {  	_ =	sfence  }
0xb7: {  	s30 =	sld [smem:$0x0];
	_ =	sdelay $0x2  }
0xb8: {  	s31 =	sshll.u32 s1, $0xD;
	s1 =	sshrl.u32 s1, $0x2  }
0xb9: {  	s3 =	sand.u32 $0x4000, s31;
	s1 =	sadd.s32 s1, s30  }
0xba: {  	s0 =	sor.u32 s3, s0;
	s1 =	sshll.u32 s1, $0x11  }
0xbb: {  	s0 =	sor.u32 s1, s0  }
0xbc: {  	s0 =	sadd.s32 $0x8F2B, s0  }
0xbd: {  	[sflag:s0] =	ssyncadd.remote.s32 $0x1  }
0xbe: {  	_ =	sfence.sel $0xFFFF  }
0xbf: {  	[dreg:$0x0] =	wrdreg $0xFFFFFFFF;
	(pc) =	sbr.abs _section_cstart, $3  }
0xc0: {  	[dreg:$0x1] =	wrdreg $0xFFFFFFFF  }
0xc1: {  	_ =	task.clear_ibuf [dreg:s7], $0x2FFFF;
	_ =	strace $0x9FFFFFFF  }
0xc2: {  	(tm) =	ssettm $0x7FFFFFFF  }
0xc3: {  	_ =	shalt  }
tec
execute0_lowered:
.L_overlay_start_1:
0x0: {  	(tag) =	ssettag $0x1  }
0x1: {  	s3 =	rddreg [dreg:$0x0];
	s1 =	srdreg.scid  }
0x2: {  	s0 =	stileid.u32;
	s8 =	rddreg [dreg:$0x1];
	s12 =	simm.s32 $0x80  }
0x3: {  	s13 =	simm.s32 $0x400;
	s14 =	simm.s32 $0x0;
	s4 =	sand.u32 $0x1, s1  }
0x4: {  	s2 =	sshll.u32 s0, $0x1;
	s1 =	rddreg [dreg:$0x2];
	s7 =	sshrl.u32 s0, $0x2  }
0x5: {  	s5 =	sor.u32 s4, s2;
	s2 =	simm.s32 $0x0;
	s7 =	smul.u32 $0x13C00, s7  }
0x6: {  	s4 =	ssub.s32 $0x2, s4;
	s6 =	smul.u32 $0x2780, s5;
	s5 =	sshll.u32 s5, $0x7  }
0x7: {  	[smem:$0x7FF] =	sst s2;
	s29 =	sshrl.u32 s4, $0x1;
	s5 =	sand.u32 $0x380, s5  }
0x8: {  	_ =	strace $0x80000047;
	s9 =	sadd.s32 s6, s3;
	s5 =	sor.u32 s7, s5  }
0x9: {  	s10 =	ssub.s32 s4, s29;
	s3 =	sadd.s32 $0x800, s9;
	s30 =	sshrl.u32 s5, $0x3  }
0xa: {  	s31 =	sadd.s32 $0x4F000, s5;
	s7 =	sadd.s32 $0x9E000, s5;
	s5 =	sadd.s32 $0x4F800, s9  }
0xb: {  	s4 =	sadd.s32 s8, s30;
	s6 =	sshrl.u32 s31, $0x3;
	s11 =	sshrl.u32 s7, $0x3  }
0xc: {  	s7 =	sadd.s32 $0x9E800, s9;
	s9 =	smax.u32 s10, $0x1;
	s10 =	simm.s32 $0x1  }
0xd: {  	v0 =	vimm.f32 $0.0e+00;
	v1 =	vimm.f32 $1.000000000e+00;
	s6 =	sadd.s32 s8, s6;
	s8 =	sadd.s32 s8, s11;
	s11 =	simm.s32 $0x13C00  }
.LBB2_1:
0xe: {  	[tilespmem:s2], [sflag:$0x1] =	stream.linear.gather [hbm4b:s3+s2], $0x13880, $0x38;
	[tilespmem:$0x16380] =	vst v63  }
0xf: {  	_ =	swait.ge [sflag:s10], $0x13880  }
0x10: {  	[sflag:s10] =	ssyncset.done $0x0  }
0x11: {  	s16 =	simm.s32 $0x140;
	s15 =	simm.s32 $0x0;
	[sflag:s10] =	ssyncadd.s32 $0xFFFEC780  }
.LBB2_2:
0x12: {  	p0 =	sne.s32 s16, $0x9B00;
	[tilespmem:s15+$0x13C40] =	vst v0;
	s17 =	smov.u32 s16;
	s16 =	sadd.s32 $0x140, s16  }
.Ltmp0:
0x13: {  	[tilespmem:s15+$0x13C30] =	vst v0;
	(pc) =	sbr.rel @p0 .LBB2_2-.Ltmp0, $4  }
0x14: {  	[tilespmem:s15+$0x13C20] =	vst v0  }
0x15: {  	[tilespmem:s15+$0x13C00] =	vst v0  }
0x16: {  	[tilespmem:s15+$0x13C10] =	vst v0  }
0x17: {  	s15 =	sshra.s32 s17, $0x2  }
0x18: {  	[tilespmem:s15+$0x13C40] =	vst v0  }
0x19: {  	[tilespmem:s15+$0x13C30] =	vst v0  }
0x1a: {  	[tilespmem:s15+$0x13C20] =	vst v0  }
0x1b: {  	[tilespmem:s15+$0x13C00] =	vst v0  }
0x1c: {  	[tilespmem:s15+$0x13C10] =	vst v0;
	s16 =	simm.s32 $0x0;
	s15 =	simm.s32 $0x200  }
.LBB2_4:
0x1d: {  	p0 =	sne.s32 s15, $0x4E000;
	v2 =	vld [tilespmem:s16+$0x0];
	_ =	sdelay $0x3  }
.Ltmp1:
0x1e: {  	(pc) =	sbr.rel @p0 .LBB2_4-.Ltmp1, $2  }
0x1f: {  	_ =	sdelay $0x2  }
0x20: {  	s16 =	sshra.s32 s15, $0x2;
	s15 =	sadd.s32 $0x200, s15;
	[tilespmem:v2+s11+$0x0] =	vst.idx.add.f32.msk $0xffff, v1  }
0x21: {  	v2 =	vld [tilespmem:s16+$0x0];
	_ =	sdelay $0x7  }
0x22: {  	[tilespmem:v2+s11+$0x0] =	vst.idx.add.f32.msk $0xffff, v1  }
0x23: {  	[hbm4b:s4+s12] =	stream.strided.scatter [tilespmem:s11], [sflag:$0x1], $0x2780, s13, s12, $0x38;
	[tilespmem:$0x16380] =	vst v63  }
0x24: {  	_ =	swait.ge [sflag:s10], $0x2780  }
0x25: {  	[sflag:s10] =	ssyncset.done $0x0  }
0x26: {  	s15 =	simm.s32 $0x0;
	[sflag:s10] =	ssyncadd.s32 $0xFFFFD880  }
0x27: {  	[tilespmem:s15], [sflag:$0x1] =	stream.linear.gather [hbm4b:s5+s15], $0x13880, $0x38;
	[tilespmem:$0x16380] =	vst v63  }
0x28: {  	_ =	swait.ge [sflag:s10], $0x13880  }
0x29: {  	[sflag:s10] =	ssyncset.done $0x0  }
0x2a: {  	s16 =	simm.s32 $0x140;
	s15 =	simm.s32 $0x0;
	[sflag:s10] =	ssyncadd.s32 $0xFFFEC780  }
.LBB2_6:
0x2b: {  	p0 =	sne.s32 s16, $0x9B00;
	[tilespmem:s15+$0x13C40] =	vst v0;
	s17 =	smov.u32 s16;
	s16 =	sadd.s32 $0x140, s16  }
.Ltmp2:
0x2c: {  	[tilespmem:s15+$0x13C30] =	vst v0;
	(pc) =	sbr.rel @p0 .LBB2_6-.Ltmp2, $4  }
0x2d: {  	[tilespmem:s15+$0x13C20] =	vst v0  }
0x2e: {  	[tilespmem:s15+$0x13C00] =	vst v0  }
0x2f: {  	[tilespmem:s15+$0x13C10] =	vst v0  }
0x30: {  	s15 =	sshra.s32 s17, $0x2  }
0x31: {  	[tilespmem:s15+$0x13C40] =	vst v0  }
0x32: {  	[tilespmem:s15+$0x13C30] =	vst v0  }
0x33: {  	[tilespmem:s15+$0x13C20] =	vst v0  }
0x34: {  	[tilespmem:s15+$0x13C00] =	vst v0  }
0x35: {  	[tilespmem:s15+$0x13C10] =	vst v0;
	s16 =	simm.s32 $0x0;
	s15 =	simm.s32 $0x200  }
.LBB2_8:
0x36: {  	p0 =	sne.s32 s15, $0x4E000;
	v2 =	vld [tilespmem:s16+$0x0];
	_ =	sdelay $0x3  }
.Ltmp3:
0x37: {  	(pc) =	sbr.rel @p0 .LBB2_8-.Ltmp3, $2  }
0x38: {  	_ =	sdelay $0x2  }
0x39: {  	s16 =	sshra.s32 s15, $0x2;
	s15 =	sadd.s32 $0x200, s15;
	[tilespmem:v2+s11+$0x0] =	vst.idx.add.f32.msk $0xffff, v1  }
0x3a: {  	v2 =	vld [tilespmem:s16+$0x0];
	_ =	sdelay $0x7  }
0x3b: {  	[tilespmem:v2+s11+$0x0] =	vst.idx.add.f32.msk $0xffff, v1  }
0x3c: {  	[hbm4b:s6+s12] =	stream.strided.scatter [tilespmem:s11], [sflag:$0x1], $0x2780, s13, s12, $0x38;
	[tilespmem:$0x16380] =	vst v63  }
0x3d: {  	_ =	swait.ge [sflag:s10], $0x2780  }
0x3e: {  	[sflag:s10] =	ssyncset.done $0x0  }
0x3f: {  	s15 =	simm.s32 $0x0;
	[sflag:s10] =	ssyncadd.s32 $0xFFFFD880  }
0x40: {  	[tilespmem:s15], [sflag:$0x1] =	stream.linear.gather [hbm4b:s7+s15], $0x13880, $0x38;
	[tilespmem:$0x16380] =	vst v63  }
0x41: {  	_ =	swait.ge [sflag:s10], $0x13880  }
0x42: {  	[sflag:s10] =	ssyncset.done $0x0  }
0x43: {  	s16 =	simm.s32 $0x140;
	s15 =	simm.s32 $0x0;
	[sflag:s10] =	ssyncadd.s32 $0xFFFEC780  }
.LBB2_10:
0x44: {  	p0 =	sne.s32 s16, $0x9B00;
	[tilespmem:s15+$0x13C40] =	vst v0;
	s17 =	smov.u32 s16;
	s16 =	sadd.s32 $0x140, s16  }
.Ltmp4:
0x45: {  	[tilespmem:s15+$0x13C30] =	vst v0;
	(pc) =	sbr.rel @p0 .LBB2_10-.Ltmp4, $4  }
0x46: {  	[tilespmem:s15+$0x13C20] =	vst v0  }
0x47: {  	[tilespmem:s15+$0x13C00] =	vst v0  }
0x48: {  	[tilespmem:s15+$0x13C10] =	vst v0  }
0x49: {  	s15 =	sshra.s32 s17, $0x2  }
0x4a: {  	[tilespmem:s15+$0x13C40] =	vst v0  }
0x4b: {  	[tilespmem:s15+$0x13C30] =	vst v0  }
0x4c: {  	[tilespmem:s15+$0x13C20] =	vst v0  }
0x4d: {  	[tilespmem:s15+$0x13C00] =	vst v0  }
0x4e: {  	[tilespmem:s15+$0x13C10] =	vst v0;
	s16 =	simm.s32 $0x0;
	s15 =	simm.s32 $0x200  }
.LBB2_12:
0x4f: {  	p0 =	sne.s32 s15, $0x4E000;
	v2 =	vld [tilespmem:s16+$0x0];
	_ =	sdelay $0x3  }
.Ltmp5:
0x50: {  	(pc) =	sbr.rel @p0 .LBB2_12-.Ltmp5, $2  }
0x51: {  	_ =	sdelay $0x2  }
0x52: {  	s16 =	sshra.s32 s15, $0x2;
	s15 =	sadd.s32 $0x200, s15;
	[tilespmem:v2+s11+$0x0] =	vst.idx.add.f32.msk $0xffff, v1  }
0x53: {  	v2 =	vld [tilespmem:s16+$0x0];
	_ =	sdelay $0x5  }
0x54: {  	s14 =	sadd.s32 $0x1, s14  }
0x55: {  	p0 =	sne.s32 s14, s9  }
.Ltmp6:
0x56: {  	[tilespmem:v2+s11+$0x0] =	vst.idx.add.f32.msk $0xffff, v1;
	(pc) =	sbr.rel @p0 .LBB2_1-.Ltmp6, $4  }
0x57: {  	[hbm4b:s8+s12] =	stream.strided.scatter [tilespmem:s11], [sflag:$0x1], $0x2780, s13, s12, $0x38;
	[tilespmem:$0x16380] =	vst v63  }
0x58: {  	_ =	swait.ge [sflag:s10], $0x2780  }
0x59: {  	[sflag:s10] =	ssyncset.done $0x0  }
0x5a: {  	[sflag:s10] =	ssyncadd.s32 $0xFFFFD880  }
0x5b: {  	_ =	sfence.sel $0x180000  }
0x5c: {  	[bflag:$0x0] =	sbarrier.arrive $0xFFFF  }
0x5d: {  	p0 =	sne.s32 s0, $0x0;
	_ =	strace $0x90000047  }
0x5e: {  	s0 =	sadd.s32 @!p0 $0x100000, s1;
	[bflag:$0x2] =	sbarrier.arrive $0xFFFF  }
0x5f: {  	[sflag:s0] =	ssyncadd.tile.s32 @!p0 $0x1;
	_ =	shalt  }
.Lfunc_end2:
_tile_overlayer_lowered:
.L_overlay_start_2:
0x60: {  	(tag) =	ssettag $0x2  }
0x61: {  	s0 =	rddreg [dreg:$0x0];
	s2 =	stileid.u32  }
0x62: {  	s1 =	rddreg [dreg:$0x1];
	p0 =	sne.s32 s2, $0x0  }
0x63: {  	s3 =	rddreg [dreg:$0x2];
	[bflag:$0x3] =	sbarrier.arrive $0xFFFF;
	s2 =	simm.s32 @!p0 $0x1C01  }
0x64: {  	[timem:s3], [sflag:s2] =	dma.local @!p0 [hbm:s0], s1  }
0x65: {  	s0 =	simm.s32 @!p0 $0x1  }
0x66: {  	_ =	swait.ge @!p0 [sflag:s0], s1  }
0x67: {  	s1 =	ssub.s32 @!p0 $0x0, s1;
	[sflag:s0] =	ssyncset.done @!p0 $0x0  }
0x68: {  	[sflag:s0] =	ssyncadd.s32 @!p0 s1  }
0x69: {  	[bflag:$0x3] =	sbarrier.arrive $0xFFFF  }
0x6a: {  	_ =	shalt  }

</sc_bundles>
